<compile_context>
chip_gen: v7x
topology: tpu7x:2x2x1
jax: 0.10.2.dev20260603
libtpu: 0.0.44.dev20260713+nightly
codegen_flags: <defaults>
</compile_context>

<pallas_src>
import math

import jax
import jax.numpy as jnp
from jax import lax
from jax.experimental import pallas as pl
from jax.experimental.pallas import tpu as pltpu
from jax.experimental.pallas import tpu_sc as plsc

N = 1000
C = 81
SCORE_THRESH = 0.05
NMS_THRESH = 0.5
DETS = 100
IMG_W = 1024.0
IMG_H = 1024.0
BBOX_XFORM_CLIP = math.log(1000.0 / 16.0)

L = 16
NW = 32
RUN_W = 112
NRUNS = 81
CTOT = 9088
BIG = 1 << 20
DEAD = -2.0
PB = 1024


def _scal(x):
    return x if x.ndim == 0 else jnp.max(x)


def _prep_body(cl_ref, dx_ref, dy_ref, dw_ref, dh_ref, pr_ref,
               probs_ref, x1_ref, y1_ref, x2_ref, y2_ref, ar_ref):
    cl = cl_ref[...]
    m = jnp.max(cl, axis=0, keepdims=True)
    e = jnp.exp(cl - m)
    probs_ref[...] = e / jnp.sum(e, axis=0, keepdims=True)

    pr = pr_ref[...]
    w = pr[2:3] - pr[0:1] + 1.0
    h = pr[3:4] - pr[1:2] + 1.0
    cx = pr[0:1] + 0.5 * w
    cy = pr[1:2] + 0.5 * h
    dx = dx_ref[...] / 10.0
    dy = dy_ref[...] / 10.0
    dw = jnp.minimum(dw_ref[...] / 5.0, BBOX_XFORM_CLIP)
    dh = jnp.minimum(dh_ref[...] / 5.0, BBOX_XFORM_CLIP)
    pcx = dx * w + cx
    pcy = dy * h + cy
    pw = jnp.exp(dw) * w
    ph = jnp.exp(dh) * h
    x1 = jnp.clip(pcx - 0.5 * pw, 0.0, IMG_W - 1.0)
    y1 = jnp.clip(pcy - 0.5 * ph, 0.0, IMG_H - 1.0)
    x2 = jnp.clip(pcx + 0.5 * pw - 1.0, 0.0, IMG_W - 1.0)
    y2 = jnp.clip(pcy + 0.5 * ph - 1.0, 0.0, IMG_H - 1.0)
    x1_ref[...] = x1
    y1_ref[...] = y1
    x2_ref[...] = x2
    y2_ref[...] = y2
    ar_ref[...] = (x2 - x1 + 1.0) * (y2 - y1 + 1.0)


_prep = pl.pallas_call(
    _prep_body,
    out_shape=tuple(jax.ShapeDtypeStruct((C, N), jnp.float32) for _ in range(6)),
)


def _nms_body(probs_h, x1_h, y1_h, x2_h, y2_h, ar_h, cs_h, cf_h,
              buf0, buf1, buf2, csa, cidx,
              rs0, rf0, rs1, rf1, rs2, rf2, keptmark, fbs, fbf,
              sem0, sem1, sem2, semo):
    wid = lax.axis_index("s") * 2 + lax.axis_index("c")
    lane = lax.iota(jnp.int32, 16)
    lane0 = lane == 0
    widv = jnp.full((16,), wid, jnp.int32)
    planes = (probs_h, x1_h, y1_h, x2_h, y2_h, ar_h)
    bufs = (buf0, buf1, buf2)
    sems = (sem0, sem1, sem2)
    runs = ((rs0, rf0), (rs1, rf1), (rs2, rf2))

    in_descs = []
    for k in range(3):
        c = 1 + wid + 32 * k
        cdma = jnp.minimum(c, C - 1)
        for p in range(6):
            d = pltpu.make_async_copy(
                planes[p].at[pl.ds(cdma * N, N)],
                bufs[k].at[pl.ds(p * PB, N)], sems[k])
            d.start()
            in_descs.append(d)

    out_descs = []

    def do_class(k):
        c = 1 + wid + 32 * k
        vbuf = bufs[k]
        rs, rf = runs[k]
        for d in in_descs[6 * k:6 * k + 6]:
            d.wait()
        tl = pl.ds(992, L)
        vbuf[tl] = jnp.where(lane < 8, vbuf[tl], DEAD)
        vbuf[pl.ds(1008, L)] = jnp.full((L,), DEAD, jnp.float32)
        for j in range(8):
            rs[pl.ds(j * L, L)] = jnp.full((L,), DEAD, jnp.float32)
            rf[pl.ds(j * L, L)] = jnp.zeros((L,), jnp.int32)
        for j in range(64):
            csa[pl.ds(j * L, L)] = jnp.full((L,), DEAD, jnp.float32)

        def comp(i, cnt_c):
            off = i * L
            s = vbuf[pl.ds(off, L)]
            msk = s > SCORE_THRESH
            mi = msk.astype(jnp.int32)
            inc = plsc.cumsum(mi)
            didx = inc - mi + cnt_c
            plsc.store_scatter(csa, [didx], s, mask=msk)
            plsc.store_scatter(cidx, [didx], lane + off, mask=msk)
            return cnt_c + jnp.max(inc)

        cnt_c = lax.fori_loop(0, 64, comp, jnp.int32(0))
        nch = lax.shift_right_logical(cnt_c + 15, 4)

        bs0 = jnp.full((L,), -3.0, jnp.float32)
        bp0 = jnp.full((L,), BIG, jnp.int32)

        def amax(j, st):
            bs, bp = st
            off = j * L
            v = csa[pl.ds(off, L)]
            pos = lane + off
            better = (v > bs) | ((v == bs) & (pos < bp))
            return jnp.where(better, v, bs), jnp.where(better, pos, bp)

        bs, bp = lax.fori_loop(0, nch, amax, (bs0, bp0))
        mx = _scal(bs)
        mp = jnp.min(jnp.where(bs == mx, bp, BIG))

        def cond(st):
            return st[0] > -1.5

        def bodyw(st):
            mx, mp, kept = st
            posv = jnp.full((16,), mp, jnp.int32)
            ov = plsc.load_gather(cidx, [posv])
            xm = plsc.load_gather(vbuf, [ov + PB])
            ym = plsc.load_gather(vbuf, [ov + 2 * PB])
            x2m = plsc.load_gather(vbuf, [ov + 3 * PB])
            y2m = plsc.load_gather(vbuf, [ov + 4 * PB])
            am = plsc.load_gather(vbuf, [ov + 5 * PB])
            kv = jnp.full((16,), kept, jnp.int32)
            emit_m = lane0 & (kv < DETS)
            kpos = jnp.minimum(kv, 127)
            plsc.store_scatter(rs, [kpos], jnp.full((16,), mx), mask=emit_m)
            plsc.store_scatter(rf, [kpos], ov + (c - 1) * N, mask=emit_m)
            if k == 0:
                mark_m = lane0 & (widv == 0) & (ov < 112)
                plsc.store_scatter(keptmark, [jnp.minimum(ov, 111)],
                                   jnp.full((16,), 1.0, jnp.float32),
                                   mask=mark_m)

            def sup(j, st2):
                bs, bp = st2
                off = j * L
                sl = pl.ds(off, L)
                v = csa[sl]
                pos = lane + off
                ovc = cidx[sl]
                ix1 = jnp.maximum(xm, plsc.load_gather(vbuf, [ovc + PB]))
                iy1 = jnp.maximum(ym, plsc.load_gather(vbuf, [ovc + 2 * PB]))
                ix2 = jnp.minimum(x2m, plsc.load_gather(vbuf, [ovc + 3 * PB]))
                iy2 = jnp.minimum(y2m, plsc.load_gather(vbuf, [ovc + 4 * PB]))
                ac = plsc.load_gather(vbuf, [ovc + 5 * PB])
                iw = jnp.maximum(ix2 - ix1 + 1.0, 0.0)
                ih = jnp.maximum(iy2 - iy1 + 1.0, 0.0)
                inter = iw * ih
                iou = inter / (am + ac - inter)
                kill = (iou > NMS_THRESH) | (pos == posv)
                v = jnp.where(kill, DEAD, v)
                csa[sl] = v
                better = (v > bs) | ((v == bs) & (pos < bp))
                return jnp.where(better, v, bs), jnp.where(better, pos, bp)

            bs, bp = lax.fori_loop(0, nch, sup, (bs0, bp0))
            mx2 = _scal(bs)
            mp2 = jnp.min(jnp.where(bs == mx2, bp, BIG))
            return mx2, mp2, kept + 1

        lax.while_loop(cond, bodyw, (mx, mp, jnp.int32(0)))

        osl = pl.ds((wid + 32 * k) * RUN_W, RUN_W)
        pltpu.sync_copy(rs.at[pl.ds(0, RUN_W)], cs_h.at[osl])
        pltpu.sync_copy(rf.at[pl.ds(0, RUN_W)], cf_h.at[osl])

    for j in range(112 // L):
        keptmark[pl.ds(j * L, L)] = jnp.zeros((L,), jnp.float32)
    for j in range(8):
        fbs[pl.ds(j * L, L)] = jnp.full((L,), DEAD, jnp.float32)
        fbf[pl.ds(j * L, L)] = jnp.zeros((L,), jnp.int32)

    do_class(0)
    do_class(1)
    pl.when(wid <= 15)(lambda: do_class(2))

    @pl.when(wid == 0)
    def _fills():
        cnt = jnp.int32(0)
        for j in range(112 // L):
            mkv = keptmark[pl.ds(j * L, L)]
            p = lane + j * L
            msk = (mkv < 0.5) & (p < DETS)
            mi = msk.astype(jnp.int32)
            inc = plsc.cumsum(mi)
            didx = inc - mi + cnt
            plsc.store_scatter(fbs, [didx],
                               jnp.full((L,), -1.0, jnp.float32), mask=msk)
            plsc.store_scatter(fbf, [didx], p, mask=msk)
            cnt = cnt + jnp.max(inc)
        tail = pl.ds(80 * RUN_W, 128)
        pltpu.sync_copy(fbs, cs_h.at[tail])
        pltpu.sync_copy(fbf, cf_h.at[tail])

    for d in out_descs:
        d.wait()


_nms = pl.kernel(
    _nms_body,
    out_type=(jax.ShapeDtypeStruct((CTOT,), jnp.float32),
              jax.ShapeDtypeStruct((CTOT,), jnp.int32)),
    mesh=plsc.VectorSubcoreMesh(core_axis_name="c", subcore_axis_name="s"),
    compiler_params=pltpu.CompilerParams(needs_layout_passes=False),
    scratch_types=(
        [pltpu.VMEM((6 * PB,), jnp.float32) for _ in range(3)]
        + [pltpu.VMEM((1024,), jnp.float32),
           pltpu.VMEM((1024,), jnp.int32)]
        + [pltpu.VMEM((128,), jnp.float32), pltpu.VMEM((128,), jnp.int32)] * 3
        + [pltpu.VMEM((112,), jnp.float32),
           pltpu.VMEM((128,), jnp.float32),
           pltpu.VMEM((128,), jnp.int32),
           pltpu.SemaphoreType.DMA, pltpu.SemaphoreType.DMA,
           pltpu.SemaphoreType.DMA, pltpu.SemaphoreType.DMA]
    ),
)


def _topk_body(cs_h, cf_h, x1f_h, y1f_h, x2f_h, y2f_h, out_h, lab_h,
               sall, fall, gsc, gfl, gidx, gx, obuf, lbuf, semg):
    wid = lax.axis_index("s") * 2 + lax.axis_index("c")

    @pl.when(wid == 0)
    def _():
        lane = lax.iota(jnp.int32, 16)
        lane0 = lane == 0
        pltpu.sync_copy(cs_h, sall)
        pltpu.sync_copy(cf_h, fall)
        for j in range(112 // L):
            gfl[pl.ds(j * L, L)] = jnp.zeros((L,), jnp.int32)

        NCH = 6
        bases = [jnp.minimum(lane + 16 * j, NRUNS) * RUN_W for j in range(NCH)]

        def mrg(kk, hs):
            bv = jnp.full((16,), -3.0, jnp.float32)
            bf = jnp.full((16,), BIG, jnp.int32)
            bl = jnp.full((16,), BIG, jnp.int32)
            for j in range(NCH):
                v = plsc.load_gather(sall, [bases[j] + hs[j]])
                f = plsc.load_gather(fall, [bases[j] + hs[j]])
                better = (v > bv) | ((v == bv) & (f < bf))
                bv = jnp.where(better, v, bv)
                bf = jnp.where(better, f, bf)
                bl = jnp.where(better, lane + 16 * j, bl)
            mxv = _scal(bv)
            mf = jnp.min(jnp.where(bv == mxv, bf, BIG))
            lid = jnp.min(jnp.where((bv == mxv) & (bf == mf), bl, BIG))
            kvec = jnp.full((16,), kk, jnp.int32)
            plsc.store_scatter(gsc, [kvec], jnp.full((16,), mxv), mask=lane0)
            plsc.store_scatter(gfl, [kvec], jnp.full((16,), mf), mask=lane0)
            lidv = jnp.full((16,), lid, jnp.int32)
            return tuple(hs[j] + ((lane + 16 * j) == lidv).astype(jnp.int32)
                         for j in range(NCH))

        z = jnp.zeros((16,), jnp.int32)
        lax.fori_loop(0, DETS, mrg, (z,) * NCH)

        for j in range(112 // L):
            sl = pl.ds(j * L, L)
            f = gfl[sl]
            gidx[sl] = f + N
            lbuf[sl] = ((f.astype(jnp.float32) + 0.5) * 0.001
                        ).astype(jnp.int32) + 1

        for pi, ph in enumerate((x1f_h, y1f_h, x2f_h, y2f_h)):
            d = pltpu.make_async_copy(ph.at[gidx], gx, semg)
            d.start()
            d.wait()
            for j in range(112 // L):
                xv = gx[pl.ds(j * L, L)]
                pos = lane + j * L
                oidx = jnp.minimum(pos * 5 + pi, 511)
                plsc.store_scatter(obuf, [oidx], xv, mask=pos < DETS)
        for j in range(112 // L):
            pos = lane + j * L
            oidx = jnp.minimum(pos * 5 + 4, 511)
            plsc.store_scatter(obuf, [oidx], gsc[pl.ds(j * L, L)],
                               mask=pos < DETS)
        pltpu.sync_copy(obuf, out_h)
        pltpu.sync_copy(lbuf, lab_h)


_topk = pl.kernel(
    _topk_body,
    out_type=(jax.ShapeDtypeStruct((512,), jnp.float32),
              jax.ShapeDtypeStruct((128,), jnp.int32)),
    mesh=plsc.VectorSubcoreMesh(core_axis_name="c", subcore_axis_name="s"),
    compiler_params=pltpu.CompilerParams(needs_layout_passes=False),
    scratch_types=(
        pltpu.VMEM((CTOT,), jnp.float32),
        pltpu.VMEM((CTOT,), jnp.int32),
        pltpu.VMEM((112,), jnp.float32),
        pltpu.VMEM((112,), jnp.int32),
        pltpu.VMEM((112,), jnp.int32),
        pltpu.VMEM((112,), jnp.float32),
        pltpu.VMEM((512,), jnp.float32),
        pltpu.VMEM((128,), jnp.int32),
        pltpu.SemaphoreType.DMA,
    ),
)


def _empty_body(a_h, o_h, vb):
    wid = lax.axis_index("s") * 2 + lax.axis_index("c")
    pl.when(wid == 0)(lambda: pltpu.sync_copy(a_h.at[pl.ds(0, 128)], vb))


_empty = pl.kernel(
    _empty_body,
    out_type=jax.ShapeDtypeStruct((128,), jnp.float32),
    mesh=plsc.VectorSubcoreMesh(core_axis_name="c", subcore_axis_name="s"),
    compiler_params=pltpu.CompilerParams(needs_layout_passes=False),
    scratch_types=(pltpu.VMEM((128,), jnp.float32),),
)


def kernel(class_logits, cat_logits, box_regression, proposals):
    del cat_logits
    cl_t = class_logits.T
    br = box_regression.reshape(N, C, 4)
    dx_t = br[:, :, 0].T
    dy_t = br[:, :, 1].T
    dw_t = br[:, :, 2].T
    dh_t = br[:, :, 3].T
    pr_t = proposals.T
    probs, x1, y1, x2, y2, ar = _prep(cl_t, dx_t, dy_t, dw_t, dh_t, pr_t)
    x1f = x1.reshape(-1)
    y1f = y1.reshape(-1)
    x2f = x2.reshape(-1)
    y2f = y2.reshape(-1)
    e = _empty(x1f)
    return e[:500//5].reshape(20, 5), e[:100].astype(jnp.int32)

# --- scband reference (transcript-rebuilt; emitter-appended) ---
"""Pipeline reference for scband-post-processor-75419625717922 (READ-ONLY COPY).

The authoritative reference and input builder live on the scoring server;
editing this copy changes nothing except your own understanding.
"""

import jax, jax.numpy as jnp
import numpy as np
import math

N = 1000
C = 81
IMG_W = 1024.0
IMG_H = 1024.0
SCORE_THRESH = 0.05
NMS_THRESH = 0.5
DETS_PER_IMG = 100
WEIGHTS = (10.0, 10.0, 5.0, 5.0)
BBOX_XFORM_CLIP = math.log(1000.0 / 16.0)


def setup_inputs(seed: int = 0):
    key = jax.random.key(seed)
    k1, k2, k3, k4, k5 = jax.random.split(key, 5)
    class_logits = jax.random.normal(k1, (N, C), dtype=jnp.float32)
    cat_logits = jax.random.normal(k2, (N, C), dtype=jnp.float32)
    box_regression = jax.random.normal(k3, (N, 4 * C), dtype=jnp.float32)
    ctr = jax.random.uniform(k4, (N, 2), minval=64.0, maxval=960.0)
    wh = jax.random.uniform(k5, (N, 2), minval=16.0, maxval=256.0)
    proposals = jnp.concatenate([ctr - 0.5 * wh, ctr + 0.5 * wh], axis=1).astype(jnp.float32)
    return {"class_logits": class_logits, "cat_logits": cat_logits,
            "box_regression": box_regression, "proposals": proposals}


def _decode(rel_codes, boxes):
    # maskrcnn-benchmark BoxCoder.decode with weights (10,10,5,5), TO_REMOVE=1
    TO_REMOVE = 1.0
    widths = boxes[:, 2] - boxes[:, 0] + TO_REMOVE
    heights = boxes[:, 3] - boxes[:, 1] + TO_REMOVE
    ctr_x = boxes[:, 0] + 0.5 * widths
    ctr_y = boxes[:, 1] + 0.5 * heights
    wx, wy, ww, wh = WEIGHTS
    dx = rel_codes[:, 0::4] / wx
    dy = rel_codes[:, 1::4] / wy
    dw = jnp.minimum(rel_codes[:, 2::4] / ww, BBOX_XFORM_CLIP)
    dh = jnp.minimum(rel_codes[:, 3::4] / wh, BBOX_XFORM_CLIP)
    pred_ctr_x = dx * widths[:, None] + ctr_x[:, None]
    pred_ctr_y = dy * heights[:, None] + ctr_y[:, None]
    pred_w = jnp.exp(dw) * widths[:, None]
    pred_h = jnp.exp(dh) * heights[:, None]
    x1 = pred_ctr_x - 0.5 * pred_w
    y1 = pred_ctr_y - 0.5 * pred_h
    x2 = pred_ctr_x + 0.5 * pred_w - 1.0
    y2 = pred_ctr_y + 0.5 * pred_h - 1.0
    return jnp.stack([x1, y1, x2, y2], axis=2)  # [N, C, 4]


def _iou_matrix(boxes):
    TO_REMOVE = 1.0
    area = (boxes[:, 2] - boxes[:, 0] + TO_REMOVE) * (boxes[:, 3] - boxes[:, 1] + TO_REMOVE)
    lt = jnp.maximum(boxes[:, None, :2], boxes[None, :, :2])
    rb = jnp.minimum(boxes[:, None, 2:], boxes[None, :, 2:])
    wh = jnp.maximum(rb - lt + TO_REMOVE, 0.0)
    inter = wh[..., 0] * wh[..., 1]
    return inter / (area[:, None] + area[None, :] - inter)


def _nms_keep(boxes, scores, iou_thresh):
    # exact greedy NMS with static shapes; scores of invalid boxes are -1 so
    # they sort last and never suppress a valid box
    n = boxes.shape[0]
    order = jnp.argsort(-scores)
    b = boxes[order]
    iou = _iou_matrix(b)
    idx = jnp.arange(n)

    def body(keep, i):
        suppress = (iou[i] > iou_thresh) & (idx > i) & keep[i]
        keep = keep & (~suppress)
        return keep, None

    keep_sorted, _ = jax.lax.scan(body, jnp.ones((n,), dtype=bool), jnp.arange(n))
    return jnp.zeros((n,), dtype=bool).at[order].set(keep_sorted)


def reference(class_logits, cat_logits, box_regression, proposals):
    class_prob = jax.nn.softmax(class_logits, axis=-1)
    pred = _decode(box_regression, proposals)  # [N, C, 4]
    # clip_to_image (remove_empty=False), TO_REMOVE=1
    x1 = jnp.clip(pred[..., 0], 0.0, IMG_W - 1.0)
    y1 = jnp.clip(pred[..., 1], 0.0, IMG_H - 1.0)
    x2 = jnp.clip(pred[..., 2], 0.0, IMG_W - 1.0)
    y2 = jnp.clip(pred[..., 3], 0.0, IMG_H - 1.0)
    pred = jnp.stack([x1, y1, x2, y2], axis=-1)
    # filter_results: per-class score thresh + NMS (skip background class 0)
    per_class_scores = []
    for j in range(1, C):
        boxes_j = pred[:, j, :]
        scores_j = class_prob[:, j]
        valid = scores_j > SCORE_THRESH
        s = jnp.where(valid, scores_j, -1.0)
        keep = _nms_keep(boxes_j, s, NMS_THRESH)
        per_class_scores.append(jnp.where(valid & keep, scores_j, -1.0))
    score_mat = jnp.stack(per_class_scores, axis=0)  # [C-1, N]
    flat = score_mat.reshape(-1)
    top_scores, top_idx = jax.lax.top_k(flat, DETS_PER_IMG)
    labels = top_idx // N + 1
    prop_idx = top_idx % N
    boxes_out = pred[prop_idx, labels, :]
    out = jnp.concatenate([boxes_out, top_scores[:, None]], axis=1)  # [100, 5]
    return out, labels

if __name__ == "__main__":
    import jax
    _d = setup_inputs()
    print(jax.jit(kernel)(*tuple(_d.values())))

</pallas_src>

<mosaic_0001>
#map = affine_map<(d0, d1) -> (0)>
module attributes {stable_mosaic.version = 14 : i64} {
  func.func @_empty_body(%arg0: i32, %arg1: i32, %arg2: memref<81000xf32, #tpu.memory_space<hbm>>, %arg3: memref<128xf32, #tpu.memory_space<hbm>>, %arg4: memref<128xf32, #tpu.memory_space<vmem>>) attributes {dimension_semantics = [#tpu.dimension_semantics<core_parallel>, #tpu.dimension_semantics<subcore_parallel>], iteration_bounds = array<i64: 2, 16>, scalar_prefetch = 0 : i64, scratch_operands = 1 : i64, tpu.core_type = #tpu.core_type<sc_vector_subcore>, window_params = [{transform_indices = #map}, {transform_indices = #map}]} {
    %mul3A = arith.constant 2 : i32
    %mul3A_0 = arith.muli %arg1, %mul3A : i32
    %add3A = arith.addi %mul3A_0, %arg0 : i32
    %eq3A = arith.constant 0 : i32
    %eq3A_1 = arith.cmpi eq, %add3A, %eq3A : i32
    %convert_element_type3A = arith.extui %eq3A_1 : i1 to i32
    %cond3A = arith.constant 0 : i32
    %cond3A_2 = arith.cmpi ne, %convert_element_type3A, %cond3A : i32
    scf.if %cond3A_2 {
      "tpu.region"() ({
        %run_scoped3A = tpu.sem_alloc : memref<!tpu.dma_semaphore, #tpu.memory_space<semaphore_mem>>
        %dma_start3A = arith.constant 0 : i32
        %dma_start3A_3 = tpu.memref_slice %arg2[%dma_start3A] : memref<81000xf32, #tpu.memory_space<hbm>> -> memref<128xf32, #tpu.memory_space<hbm>>
        %dma_start3A_4 = arith.constant 0 : i32
        %dma_start3A_5 = tpu.memref_slice %arg2[%dma_start3A_4] : memref<81000xf32, #tpu.memory_space<hbm>> -> memref<128xf32, #tpu.memory_space<hbm>>
        tpu.enqueue_dma source(%dma_start3A_5 : memref<128xf32, #tpu.memory_space<hbm>>) target(%arg4 : memref<128xf32, #tpu.memory_space<vmem>>) target_semaphore(%run_scoped3A : memref<!tpu.dma_semaphore, #tpu.memory_space<semaphore_mem>>)
        %dma_wait3A = arith.constant 0 : i32
        %dma_wait3A_6 = tpu.memref_slice %arg2[%dma_wait3A] : memref<81000xf32, #tpu.memory_space<hbm>> -> memref<128xf32, #tpu.memory_space<hbm>>
        %dma_wait3A_7 = arith.constant 0 : i32
        %dma_wait3A_8 = tpu.memref_slice %arg2[%dma_wait3A_7] : memref<81000xf32, #tpu.memory_space<hbm>> -> memref<128xf32, #tpu.memory_space<hbm>>
        tpu.wait_dma2 semaphore(%run_scoped3A : memref<!tpu.dma_semaphore, #tpu.memory_space<semaphore_mem>>) src(%dma_wait3A_8 : memref<128xf32, #tpu.memory_space<hbm>>) dst(%arg4 : memref<128xf32, #tpu.memory_space<vmem>>)
        tpu.yield
      }) : () -> ()
    } else {
    }
    return
  }
}

module attributes {stable_mosaic.version = 14 : i64} {
  func.func @_prep_body(%arg0: memref<81x1000xf32, #tpu.memory_space<vmem>>, %arg1: memref<81x1000xf32, #tpu.memory_space<vmem>>, %arg2: memref<81x1000xf32, #tpu.memory_space<vmem>>, %arg3: memref<81x1000xf32, #tpu.memory_space<vmem>>, %arg4: memref<81x1000xf32, #tpu.memory_space<vmem>>, %arg5: memref<4x1000xf32, #tpu.memory_space<vmem>>, %arg6: memref<81x1000xf32, #tpu.memory_space<vmem>>, %arg7: memref<81x1000xf32, #tpu.memory_space<vmem>>, %arg8: memref<81x1000xf32, #tpu.memory_space<vmem>>, %arg9: memref<81x1000xf32, #tpu.memory_space<vmem>>, %arg10: memref<81x1000xf32, #tpu.memory_space<vmem>>, %arg11: memref<81x1000xf32, #tpu.memory_space<vmem>>) attributes {dimension_semantics = [], scalar_prefetch = 0 : i64, scratch_operands = 0 : i64, tpu.core_type = #tpu.core_type<tc>} {
    %get3A = arith.constant 0 : index
    %get3A_0 = arith.constant 0 : index
    %get3A_1 = vector.load %arg0[%get3A, %get3A_0] : memref<81x1000xf32, #tpu.memory_space<vmem>>, vector<81x1000xf32>
    %reduce_max3A = arith.constant dense<0xFF800000> : vector<1000xf32>
    %reduce_max3A_2 = vector.multi_reduction <maximumf>, %get3A_1, %reduce_max3A [0] : vector<81x1000xf32> to vector<1000xf32>
    %broadcast_in_dim3A = vector.shape_cast %reduce_max3A_2 : vector<1000xf32> to vector<1x1000xf32>
    %sub3A = vector.broadcast %broadcast_in_dim3A : vector<1x1000xf32> to vector<81x1000xf32>
    %sub3A_3 = arith.subf %get3A_1, %sub3A : vector<81x1000xf32>
    %exp3A = math.exp %sub3A_3 : vector<81x1000xf32>
    %reduce_sum3A = arith.constant dense<0.000000e+00> : vector<1000xf32>
    %reduce_sum3A_4 = vector.multi_reduction <add>, %exp3A, %reduce_sum3A [0] : vector<81x1000xf32> to vector<1000xf32>
    %broadcast_in_dim3A_5 = vector.shape_cast %reduce_sum3A_4 : vector<1000xf32> to vector<1x1000xf32>
    %div3A = vector.broadcast %broadcast_in_dim3A_5 : vector<1x1000xf32> to vector<81x1000xf32>
    %div3A_6 = arith.divf %exp3A, %div3A : vector<81x1000xf32>
    %swap3A = arith.constant 0 : index
    %swap3A_7 = arith.constant 0 : index
    %swap3A_8 = vector.load %arg6[%swap3A, %swap3A_7] : memref<81x1000xf32, #tpu.memory_space<vmem>>, vector<81x1000xf32>
    tpu.vector_store %arg6[%swap3A, %swap3A_7], %div3A_6 {strides = array<i32>} : memref<81x1000xf32, #tpu.memory_space<vmem>>, vector<81x1000xf32>,
    %get3A_9 = arith.constant 0 : index
    %get3A_10 = arith.constant 0 : index
    %get3A_11 = vector.load %arg5[%get3A_9, %get3A_10] : memref<4x1000xf32, #tpu.memory_space<vmem>>, vector<4x1000xf32>
    %slice3A = vector.extract_strided_slice %get3A_11 {offsets = [2, 0], sizes = [1, 1000], strides = [1, 1]} : vector<4x1000xf32> to vector<1x1000xf32>
    %slice3A_12 = vector.extract_strided_slice %get3A_11 {offsets = [0, 0], sizes = [1, 1000], strides = [1, 1]} : vector<4x1000xf32> to vector<1x1000xf32>
    %sub3A_13 = arith.subf %slice3A, %slice3A_12 : vector<1x1000xf32>
    %add3A = arith.constant 1.000000e+00 : f32
    %add3A_14 = vector.broadcast %add3A : f32 to vector<1x1000xf32>
    %add3A_15 = arith.addf %sub3A_13, %add3A_14 : vector<1x1000xf32>
    %slice3A_16 = vector.extract_strided_slice %get3A_11 {offsets = [3, 0], sizes = [1, 1000], strides = [1, 1]} : vector<4x1000xf32> to vector<1x1000xf32>
    %slice3A_17 = vector.extract_strided_slice %get3A_11 {offsets = [1, 0], sizes = [1, 1000], strides = [1, 1]} : vector<4x1000xf32> to vector<1x1000xf32>
    %sub3A_18 = arith.subf %slice3A_16, %slice3A_17 : vector<1x1000xf32>
    %add3A_19 = arith.constant 1.000000e+00 : f32
    %add3A_20 = vector.broadcast %add3A_19 : f32 to vector<1x1000xf32>
    %add3A_21 = arith.addf %sub3A_18, %add3A_20 : vector<1x1000xf32>
    %slice3A_22 = vector.extract_strided_slice %get3A_11 {offsets = [0, 0], sizes = [1, 1000], strides = [1, 1]} : vector<4x1000xf32> to vector<1x1000xf32>
    %mul3A = arith.constant 5.000000e-01 : f32
    %mul3A_23 = vector.broadcast %mul3A : f32 to vector<1x1000xf32>
    %mul3A_24 = arith.mulf %mul3A_23, %add3A_15 : vector<1x1000xf32>
    %add3A_25 = arith.addf %slice3A_22, %mul3A_24 : vector<1x1000xf32>
    %slice3A_26 = vector.extract_strided_slice %get3A_11 {offsets = [1, 0], sizes = [1, 1000], strides = [1, 1]} : vector<4x1000xf32> to vector<1x1000xf32>
    %mul3A_27 = arith.constant 5.000000e-01 : f32
    %mul3A_28 = vector.broadcast %mul3A_27 : f32 to vector<1x1000xf32>
    %mul3A_29 = arith.mulf %mul3A_28, %add3A_21 : vector<1x1000xf32>
    %add3A_30 = arith.addf %slice3A_26, %mul3A_29 : vector<1x1000xf32>
    %get3A_31 = arith.constant 0 : index
    %get3A_32 = arith.constant 0 : index
    %get3A_33 = vector.load %arg1[%get3A_31, %get3A_32] : memref<81x1000xf32, #tpu.memory_space<vmem>>, vector<81x1000xf32>
    %div3A_34 = arith.constant 1.000000e+01 : f32
    %div3A_35 = vector.broadcast %div3A_34 : f32 to vector<81x1000xf32>
    %div3A_36 = arith.divf %get3A_33, %div3A_35 : vector<81x1000xf32>
    %get3A_37 = arith.constant 0 : index
    %get3A_38 = arith.constant 0 : index
    %get3A_39 = vector.load %arg2[%get3A_37, %get3A_38] : memref<81x1000xf32, #tpu.memory_space<vmem>>, vector<81x1000xf32>
    %div3A_40 = arith.constant 1.000000e+01 : f32
    %div3A_41 = vector.broadcast %div3A_40 : f32 to vector<81x1000xf32>
    %div3A_42 = arith.divf %get3A_39, %div3A_41 : vector<81x1000xf32>
    %get3A_43 = arith.constant 0 : index
    %get3A_44 = arith.constant 0 : index
    %get3A_45 = vector.load %arg3[%get3A_43, %get3A_44] : memref<81x1000xf32, #tpu.memory_space<vmem>>, vector<81x1000xf32>
    %div3A_46 = arith.constant 5.000000e+00 : f32
    %div3A_47 = vector.broadcast %div3A_46 : f32 to vector<81x1000xf32>
    %div3A_48 = arith.divf %get3A_45, %div3A_47 : vector<81x1000xf32>
    %min3A = arith.constant 4.13516665 : f32
    %min3A_49 = vector.broadcast %min3A : f32 to vector<81x1000xf32>
    %min3A_50 = arith.minimumf %div3A_48, %min3A_49 : vector<81x1000xf32>
    %get3A_51 = arith.constant 0 : index
    %get3A_52 = arith.constant 0 : index
    %get3A_53 = vector.load %arg4[%get3A_51, %get3A_52] : memref<81x1000xf32, #tpu.memory_space<vmem>>, vector<81x1000xf32>
    %div3A_54 = arith.constant 5.000000e+00 : f32
    %div3A_55 = vector.broadcast %div3A_54 : f32 to vector<81x1000xf32>
    %div3A_56 = arith.divf %get3A_53, %div3A_55 : vector<81x1000xf32>
    %min3A_57 = arith.constant 4.13516665 : f32
    %min3A_58 = vector.broadcast %min3A_57 : f32 to vector<81x1000xf32>
    %min3A_59 = arith.minimumf %div3A_56, %min3A_58 : vector<81x1000xf32>
    %mul3A_60 = vector.broadcast %add3A_15 : vector<1x1000xf32> to vector<81x1000xf32>
    %mul3A_61 = arith.mulf %div3A_36, %mul3A_60 : vector<81x1000xf32>
    %add3A_62 = vector.broadcast %add3A_25 : vector<1x1000xf32> to vector<81x1000xf32>
    %add3A_63 = arith.addf %mul3A_61, %add3A_62 : vector<81x1000xf32>
    %mul3A_64 = vector.broadcast %add3A_21 : vector<1x1000xf32> to vector<81x1000xf32>
    %mul3A_65 = arith.mulf %div3A_42, %mul3A_64 : vector<81x1000xf32>
    %add3A_66 = vector.broadcast %add3A_30 : vector<1x1000xf32> to vector<81x1000xf32>
    %add3A_67 = arith.addf %mul3A_65, %add3A_66 : vector<81x1000xf32>
    %exp3A_68 = math.exp %min3A_50 : vector<81x1000xf32>
    %mul3A_69 = vector.broadcast %add3A_15 : vector<1x1000xf32> to vector<81x1000xf32>
    %mul3A_70 = arith.mulf %exp3A_68, %mul3A_69 : vector<81x1000xf32>
    %exp3A_71 = math.exp %min3A_59 : vector<81x1000xf32>
    %mul3A_72 = vector.broadcast %add3A_21 : vector<1x1000xf32> to vector<81x1000xf32>
    %mul3A_73 = arith.mulf %exp3A_71, %mul3A_72 : vector<81x1000xf32>
    %mul3A_74 = arith.constant 5.000000e-01 : f32
    %mul3A_75 = vector.broadcast %mul3A_74 : f32 to vector<81x1000xf32>
    %mul3A_76 = arith.mulf %mul3A_75, %mul3A_70 : vector<81x1000xf32>
    %sub3A_77 = arith.subf %add3A_63, %mul3A_76 : vector<81x1000xf32>
    %jit3A = arith.constant 0.000000e+00 : f32
    %jit3A_78 = arith.constant 1.023000e+03 : f32
    %max3A = vector.broadcast %jit3A : f32 to vector<81x1000xf32>
    %max3A_79 = arith.maximumf %max3A, %sub3A_77 : vector<81x1000xf32>
    %min3A_80 = vector.broadcast %jit3A_78 : f32 to vector<81x1000xf32>
    %min3A_81 = arith.minimumf %min3A_80, %max3A_79 : vector<81x1000xf32>
    %mul3A_82 = arith.constant 5.000000e-01 : f32
    %mul3A_83 = vector.broadcast %mul3A_82 : f32 to vector<81x1000xf32>
    %mul3A_84 = arith.mulf %mul3A_83, %mul3A_73 : vector<81x1000xf32>
    %sub3A_85 = arith.subf %add3A_67, %mul3A_84 : vector<81x1000xf32>
    %jit3A_86 = arith.constant 0.000000e+00 : f32
    %jit3A_87 = arith.constant 1.023000e+03 : f32
    %max3A_88 = vector.broadcast %jit3A_86 : f32 to vector<81x1000xf32>
    %max3A_89 = arith.maximumf %max3A_88, %sub3A_85 : vector<81x1000xf32>
    %min3A_90 = vector.broadcast %jit3A_87 : f32 to vector<81x1000xf32>
    %min3A_91 = arith.minimumf %min3A_90, %max3A_89 : vector<81x1000xf32>
    %mul3A_92 = arith.constant 5.000000e-01 : f32
    %mul3A_93 = vector.broadcast %mul3A_92 : f32 to vector<81x1000xf32>
    %mul3A_94 = arith.mulf %mul3A_93, %mul3A_70 : vector<81x1000xf32>
    %add3A_95 = arith.addf %add3A_63, %mul3A_94 : vector<81x1000xf32>
    %sub3A_96 = arith.constant 1.000000e+00 : f32
    %sub3A_97 = vector.broadcast %sub3A_96 : f32 to vector<81x1000xf32>
    %sub3A_98 = arith.subf %add3A_95, %sub3A_97 : vector<81x1000xf32>
    %jit3A_99 = arith.constant 0.000000e+00 : f32
    %jit3A_100 = arith.constant 1.023000e+03 : f32
    %max3A_101 = vector.broadcast %jit3A_99 : f32 to vector<81x1000xf32>
    %max3A_102 = arith.maximumf %max3A_101, %sub3A_98 : vector<81x1000xf32>
    %min3A_103 = vector.broadcast %jit3A_100 : f32 to vector<81x1000xf32>
    %min3A_104 = arith.minimumf %min3A_103, %max3A_102 : vector<81x1000xf32>
    %mul3A_105 = arith.constant 5.000000e-01 : f32
    %mul3A_106 = vector.broadcast %mul3A_105 : f32 to vector<81x1000xf32>
    %mul3A_107 = arith.mulf %mul3A_106, %mul3A_73 : vector<81x1000xf32>
    %add3A_108 = arith.addf %add3A_67, %mul3A_107 : vector<81x1000xf32>
    %sub3A_109 = arith.constant 1.000000e+00 : f32
    %sub3A_110 = vector.broadcast %sub3A_109 : f32 to vector<81x1000xf32>
    %sub3A_111 = arith.subf %add3A_108, %sub3A_110 : vector<81x1000xf32>
    %jit3A_112 = arith.constant 0.000000e+00 : f32
    %jit3A_113 = arith.constant 1.023000e+03 : f32
    %max3A_114 = vector.broadcast %jit3A_112 : f32 to vector<81x1000xf32>
    %max3A_115 = arith.maximumf %max3A_114, %sub3A_111 : vector<81x1000xf32>
    %min3A_116 = vector.broadcast %jit3A_113 : f32 to vector<81x1000xf32>
    %min3A_117 = arith.minimumf %min3A_116, %max3A_115 : vector<81x1000xf32>
    %swap3A_118 = arith.constant 0 : index
    %swap3A_119 = arith.constant 0 : index
    %swap3A_120 = vector.load %arg7[%swap3A_118, %swap3A_119] : memref<81x1000xf32, #tpu.memory_space<vmem>>, vector<81x1000xf32>
    tpu.vector_store %arg7[%swap3A_118, %swap3A_119], %min3A_81 {strides = array<i32>} : memref<81x1000xf32, #tpu.memory_space<vmem>>, vector<81x1000xf32>,
    %swap3A_121 = arith.constant 0 : index
    %swap3A_122 = arith.constant 0 : index
    %swap3A_123 = vector.load %arg8[%swap3A_121, %swap3A_122] : memref<81x1000xf32, #tpu.memory_space<vmem>>, vector<81x1000xf32>
    tpu.vector_store %arg8[%swap3A_121, %swap3A_122], %min3A_91 {strides = array<i32>} : memref<81x1000xf32, #tpu.memory_space<vmem>>, vector<81x1000xf32>,
    %swap3A_124 = arith.constant 0 : index
    %swap3A_125 = arith.constant 0 : index
    %swap3A_126 = vector.load %arg9[%swap3A_124, %swap3A_125] : memref<81x1000xf32, #tpu.memory_space<vmem>>, vector<81x1000xf32>
    tpu.vector_store %arg9[%swap3A_124, %swap3A_125], %min3A_104 {strides = array<i32>} : memref<81x1000xf32, #tpu.memory_space<vmem>>, vector<81x1000xf32>,
    %swap3A_127 = arith.constant 0 : index
    %swap3A_128 = arith.constant 0 : index
    %swap3A_129 = vector.load %arg10[%swap3A_127, %swap3A_128] : memref<81x1000xf32, #tpu.memory_space<vmem>>, vector<81x1000xf32>
    tpu.vector_store %arg10[%swap3A_127, %swap3A_128], %min3A_117 {strides = array<i32>} : memref<81x1000xf32, #tpu.memory_space<vmem>>, vector<81x1000xf32>,
    %sub3A_130 = arith.subf %min3A_104, %min3A_81 : vector<81x1000xf32>
    %add3A_131 = arith.constant 1.000000e+00 : f32
    %add3A_132 = vector.broadcast %add3A_131 : f32 to vector<81x1000xf32>
    %add3A_133 = arith.addf %sub3A_130, %add3A_132 : vector<81x1000xf32>
    %sub3A_134 = arith.subf %min3A_117, %min3A_91 : vector<81x1000xf32>
    %add3A_135 = arith.constant 1.000000e+00 : f32
    %add3A_136 = vector.broadcast %add3A_135 : f32 to vector<81x1000xf32>
    %add3A_137 = arith.addf %sub3A_134, %add3A_136 : vector<81x1000xf32>
    %mul3A_138 = arith.mulf %add3A_133, %add3A_137 : vector<81x1000xf32>
    %swap3A_139 = arith.constant 0 : index
    %swap3A_140 = arith.constant 0 : index
    %swap3A_141 = vector.load %arg11[%swap3A_139, %swap3A_140] : memref<81x1000xf32, #tpu.memory_space<vmem>>, vector<81x1000xf32>
    tpu.vector_store %arg11[%swap3A_139, %swap3A_140], %mul3A_138 {strides = array<i32>} : memref<81x1000xf32, #tpu.memory_space<vmem>>, vector<81x1000xf32>,
    return
  }
}

</mosaic_0001>

<sc_bundles>
// kernel: kernel.4.cloned.1.call-start
scs
__scs_entry_jumppad:
0x0: {  	(pc) =	sbr.rel $0x88, $3  }
0x1: {  	(tag) =	ssettag $0x0;
	lr =	simm.s32 $0x1  }
0x2: {  	[smem:$0x3F9E] =	sst lr;
	_ =	strace $0xD0000000  }
0x3: {  	_ = 	snop  }
0x4: {  	_ = 	snop  }
0x5: {  	_ = 	snop  }
0x6: {  	_ = 	snop  }
0x7: {  	_ = 	snop  }
__scs_overlays_trampoline_lowered:
0x8: {  	[smem:$0x3FAD] =	sst s0  }
0x9: {  	[smem:$0x3FAE] =	sst s1  }
0xa: {  	[smem:$0x3FAF] =	sst s2  }
0xb: {  	[smem:$0x3FB0] =	sst s3  }
0xc: {  	[smem:$0x3FB1] =	sst s4  }
0xd: {  	[smem:$0x3FB2] =	sst s5  }
0xe: {  	[smem:$0x3FB3] =	sst s6  }
0xf: {  	[smem:$0x3FB4] =	sst s7  }
0x10: {  	[smem:$0x3FB5] =	sst s8  }
0x11: {  	[smem:$0x3FB6] =	sst s9;
	s0 =	simm.s32 @!p0 $0x0  }
0x12: {  	s1 =	sld [smem:$0x3F9C];
	s0 =	simm.s32 @p0 $0x1  }
0x13: {  	[smem:$0x3FB7] =	sst s0;
	s0 =	simm.s32 @!p1 $0x0  }
0x14: {  	s2 =	sld [smem:$0x3F9B];
	s0 =	simm.s32 @p1 $0x1  }
0x15: {  	[smem:$0x3FB8] =	sst s0;
	s0 =	simm.s32 @!p2 $0x0  }
0x16: {  	s3 =	sld [smem:$0x3FDB];
	s0 =	simm.s32 @p2 $0x1  }
0x17: {  	s4 =	simm.s32 $0x1BF5;
	[smem:$0x3FBA] =	sst s0  }
0x18: {  	s0 =	sld [smem:$0x3F9D];
	_ =	swait.ge [sflag:s4], $0x0  }
0x19: {  	s7 =	sld [smem:$0x3F9E]  }
0x1a: {  	s8 =	sadd.s32 $0xFFFFE003, lr  }
0x1b: {  	s9 =	sadd.s32 $0xFFFFFEF7, lr;
	s5 =	simm.s32 $0xFFFFFFFF;
	p2 =	slt.u32 s8, $0xFFFFF086  }
0x1c: {  	p1 =	slt.u32 s9, $0xF7A;
	s5 =	simm.s32 @!p2 $0x0  }
0x1d: {  	s5 =	simm.s32 @p1 $0x1;
	p0 =	seq.s32 s7, s2  }
0x1e: {  	s7 =	smul.u32 @!p0 $0xF7A, s2;
	p2 =	seq.s32 @!p0 s5, $0x0  }
0x1f: {  	s9 =	smul.u32 $0xF7A, s1;
	s8 =	simm.s32 @!p0 $0x1BF5;
	p2 =	por !p2, p0  }
0x20: {  	[sflag:s8] =	ssyncset.s32 @!p0 $0xFFFFF086;
	s6 =	sadd.s32 @!p0 s3, s7;
	s7 =	simm.s32 @!p0 $0x108  }
0x21: {  	s3 =	sadd.s32 s3, s9;
	s6 =	sadd.s32 @!p0 $0x88, s6;
	s7 =	simm.s32 @p2 $0x1082  }
0x22: {  	[simem:s7], [sflag:s8] =	dma.local @!p0 [hbm:s6], $0xF7A  }
0x23: {  	s9 =	sor.u32 $0xD0000000, s2;
	s6 =	simm.s32 $0x108;
	_ =	swait.ge @!p0 [sflag:s8], $0x0  }
0x24: {  	s3 =	sadd.s32 $0x88, s3;
	s6 =	simm.s32 @!p1 $0x1082;
	[sflag:s4] =	ssyncset.s32 $0xFFFFF086  }
0x25: {  	[simem:s6], [sflag:s4] =	dma.local [hbm:s3], $0xF7A  }
0x26: {  	[smem:$0x3F9E] =	sst s1;
	(tag) =	ssettag s2;
	_ =	strace s9  }
0x27: {  	s1 =	sld [smem:$0x3FAE]  }
0x28: {  	s2 =	sld [smem:$0x3FAF]  }
0x29: {  	s4 =	sld [smem:$0x3FB1]  }
0x2a: {  	p0 =	seq.s32 s5, $0x0;
	s5 =	sld [smem:$0x3FB2]  }
0x2b: {  	s6 =	sld [smem:$0x3FB3]  }
0x2c: {  	s7 =	sld [smem:$0x3FB4]  }
0x2d: {  	s3 =	simm.s32 $0x108;
	s8 =	sld [smem:$0x3FB5]  }
0x2e: {  	s3 =	simm.s32 @!p0 $0x1082;
	s9 =	sld [smem:$0x3FB6]  }
0x2f: {  	lr =	sadd.s32 s0, s3;
	s0 =	sld [smem:$0x3FAD]  }
0x30: {  	s3 =	sld [smem:$0x3FB0]  }
0x31: {  	[smem:$0x3FB9] =	sst s10  }
0x32: {  	s10 =	sld [smem:$0x3FB7];
	_ =	sdelay $0x3  }
0x33: {  	p0 =	seq.s32 s10, $0x1;
	s10 =	sld [smem:$0x3FB9];
	_ =	sdelay $0x3  }
0x34: {  	[smem:$0x3FB9] =	sst s10  }
0x35: {  	s10 =	sld [smem:$0x3FB8];
	_ =	sdelay $0x3  }
0x36: {  	p1 =	seq.s32 s10, $0x1;
	s10 =	sld [smem:$0x3FB9];
	_ =	sdelay $0x3  }
0x37: {  	[smem:$0x3FB9] =	sst s10  }
0x38: {  	s10 =	sld [smem:$0x3FBA]  }
0x39: {  	_ = 	snop;
	(pc) =	sbr.ind lr, $3  }
0x3a: {  	_ = 	snop  }
0x3b: {  	_ = 	snop  }
0x3c: {  	p2 =	seq.s32 s10, $0x1;
	s10 =	sld [smem:$0x3FB9]  }
0x3d: {  	_ =	shalt  }
0x3e: {  	_ =	shalt  }
0x3f: {  	_ =	shalt  }
0x40: {  	_ =	shalt  }
0x41: {  	_ =	shalt  }
0x42: {  	_ =	shalt  }
0x43: {  	_ =	shalt  }
0x44: {  	_ =	shalt  }
0x45: {  	_ =	shalt  }
0x46: {  	_ =	shalt  }
0x47: {  	_ =	shalt  }
0x48: {  	_ =	shalt  }
0x49: {  	_ =	shalt  }
0x4a: {  	_ =	shalt  }
0x4b: {  	_ =	shalt  }
0x4c: {  	_ =	shalt  }
0x4d: {  	_ =	shalt  }
0x4e: {  	_ =	shalt  }
0x4f: {  	_ =	shalt  }
0x50: {  	_ =	shalt  }
0x51: {  	_ =	shalt  }
0x52: {  	_ =	shalt  }
0x53: {  	_ =	shalt  }
0x54: {  	_ =	shalt  }
0x55: {  	_ =	shalt  }
0x56: {  	_ =	shalt  }
0x57: {  	_ =	shalt  }
0x58: {  	_ =	shalt  }
0x59: {  	_ =	shalt  }
0x5a: {  	_ =	shalt  }
0x5b: {  	_ =	shalt  }
0x5c: {  	_ =	shalt  }
0x5d: {  	_ =	shalt  }
0x5e: {  	_ =	shalt  }
0x5f: {  	_ =	shalt  }
0x60: {  	_ =	shalt  }
0x61: {  	_ =	shalt  }
0x62: {  	_ =	shalt  }
0x63: {  	_ =	shalt  }
0x64: {  	_ =	shalt  }
0x65: {  	_ =	shalt  }
0x66: {  	_ =	shalt  }
0x67: {  	_ =	shalt  }
0x68: {  	_ =	shalt  }
0x69: {  	_ =	shalt  }
0x6a: {  	_ =	shalt  }
0x6b: {  	_ =	shalt  }
0x6c: {  	_ =	shalt  }
0x6d: {  	_ =	shalt  }
0x6e: {  	_ =	shalt  }
0x6f: {  	_ =	shalt  }
0x70: {  	_ =	shalt  }
0x71: {  	_ =	shalt  }
0x72: {  	_ =	shalt  }
0x73: {  	_ =	shalt  }
0x74: {  	_ =	shalt  }
0x75: {  	_ =	shalt  }
0x76: {  	_ =	shalt  }
0x77: {  	_ =	shalt  }
0x78: {  	_ =	shalt  }
0x79: {  	_ =	shalt  }
0x7a: {  	_ =	shalt  }
0x7b: {  	_ =	shalt  }
0x7c: {  	_ =	shalt  }
0x7d: {  	_ =	shalt  }
0x7e: {  	_ =	shalt  }
0x7f: {  	_ =	shalt  }
0x80: {  	_ =	shalt  }
0x81: {  	_ =	shalt  }
0x82: {  	_ =	shalt  }
0x83: {  	_ =	shalt  }
0x84: {  	_ =	shalt  }
0x85: {  	_ =	shalt  }
0x86: {  	_ =	shalt  }
0x87: {  	_ =	shalt  }
.Lfunc_end0:
.L_simem_size_0:
called_computation_lowered:
.L_overlay_start_0:
0x88: {  	s2 =	sld [smem:$0x3FD9]  }
0x89: {  	s3 =	sld [smem:$0x3FFE];
	_ =	sdelay $0x1  }
0x8a: {  	s1 =	srdreg.scid  }
0x8b: {  	s0 =	sand.u32 $0x1, s1  }
0x8c: {  	s16 =	sshll.u32 s0, $0xA;
	s2 =	sadd.s32 s3, s2  }
0x8d: {  	s2 =	sadd.s32 s2, s16  }
0x8e: {  	[smem:$0x3FC5] =	sst s2  }
0x8f: {  	_ = 	snop  }
0x90: {  	(tm) =	ssettm $0x1  }
0x91: {  	s17 =	sld [smem:$0x3FFB];
	_ =	sdelay $0x3  }
0x92: {  	_ =	strace s17  }
0x93: {  	s2 =	sld [smem:$0x3FFC];
	_ =	sdelay $0x3  }
0x94: {  	_ =	strace s2  }
0x95: {  	s2 =	sld [smem:$0x3FFD];
	_ =	sdelay $0x3  }
0x96: {  	_ =	strace s2  }
0x97: {  	_ =	strace $0x8FFFFFFF  }
0x98: {  	s18 =	sld [smem:$0x3FDB];
	_ =	sdelay $0x1  }
0x99: {  	s19 =	simm.s32 $_scs_section_size  }
0x9a: {  	s4 =	simm.s32 $_size__tile_overlayer_lowered;
	s5 =	simm.s32 $_tile_overlayer_lowered  }
0x9b: {  	s22 =	simm.s32 $0x1BFF;
	s21 =	sshll.u32 s5, $0x1;
	s2 =	sadd.s32 s19, s18  }
0x9c: {  	s6 =	simm.s32 $0x0;
	s20 =	sshll.u32 s4, $0x1;
	s4 =	sadd.s32 s21, s2  }
0x9d: {  	[timem:s6], [sflag:s22] =	dma.local [hbm:s4], s20  }
0x9e: {  	_ =	swait.ge [sflag:s22], s20  }
0x9f: {  	s3 =	ssub.s32 $0x0, s20;
	[sflag:s22] =	ssyncset.done $0x0  }
0xa0: {  	[sflag:s22] =	ssyncadd.s32 s3;
	_ =	sdelay $0x1  }
0xa1: {  	s23 =	simm.s32 $0x1B8B  }
0xa2: {  	_ =	swait.ge [sflag:s23], $0x1  }
0xa3: {  	[sflag:s23] =	ssyncset.done $0x0  }
0xa4: {  	s25 =	simm.s32 $0x1B8E;
	s24 =	sld [smem:$0x3FFE];
	[sflag:s23] =	ssyncadd.s32 $0xFFFFFFFF  }
0xa5: {  	s26 =	simm.s32 $execute0_lowered;
	[smem:$0x3FD2] =	sst s25  }
0xa6: {  	s4 =	sshll.u32 s26, $0x1;
	_ =	strace $0x80000046;
	[dreg:$0x1] =	wrdreg $0xFFFFFFFF  }
0xa7: {  	s28 =	simm.s32 $_size_execute0_lowered;
	s2 =	sadd.s32 s2, s4;
	[dreg:$0x0] =	wrdreg $0x0  }
0xa8: {  	s4 =	sshll.u32 s28, $0x1;
	[dreg:$0x2] =	wrdreg s2  }
0xa9: {  	[dreg:$0x3] =	wrdreg s4  }
0xaa: {  	[dreg:$0x4] =	wrdreg $0xC0  }
0xab: {  	_ =	task [dreg:s6], $0x5FFFF  }
0xac: {  	[dreg:$0x1] =	wrdreg $0xFFFFFFFF  }
0xad: {  	[dreg:$0x0] =	wrdreg $0x60  }
0xae: {  	[dreg:$0x2] =	wrdreg s24  }
0xaf: {  	[dreg:$0x3] =	wrdreg $0x9  }
0xb0: {  	_ =	task.clear_ibuf [dreg:s6], $0x4FFFF;
	_ =	strace $0x90000046  }
0xb1: {  	s29 =	simm.s32 $0x9;
	_ =	strace $0x80000048  }
0xb2: {  	_ =	swait.ge [sflag:s29], $0x1  }
0xb3: {  	[sflag:s29] =	ssyncadd.s32 $0xFFFFFFFF  }
0xb4: {  	_ =	strace $0x90000048  }
0xb5: {  	_ =	sfence  }
0xb6: {  	s30 =	sld [smem:$0x0];
	_ =	sdelay $0x2  }
0xb7: {  	s31 =	sshll.u32 s1, $0xD;
	s1 =	sshrl.u32 s1, $0x2  }
0xb8: {  	s3 =	sand.u32 $0x4000, s31;
	s1 =	sadd.s32 s1, s30  }
0xb9: {  	s0 =	sor.u32 s3, s0;
	s1 =	sshll.u32 s1, $0x11  }
0xba: {  	s0 =	sor.u32 s1, s0  }
0xbb: {  	s0 =	sadd.s32 $0x8F2B, s0  }
0xbc: {  	[sflag:s0] =	ssyncadd.remote.s32 $0x1  }
0xbd: {  	_ =	sfence.sel $0xFFFF  }
0xbe: {  	[dreg:$0x0] =	wrdreg $0xFFFFFFFF;
	(pc) =	sbr.abs _section_cstart, $3  }
0xbf: {  	[dreg:$0x1] =	wrdreg $0xFFFFFFFF  }
0xc0: {  	_ =	task.clear_ibuf [dreg:s6], $0x2FFFF;
	_ =	strace $0x9FFFFFFF  }
0xc1: {  	(tm) =	ssettm $0x7FFFFFFF  }
tec
execute0_lowered:
.L_overlay_start_1:
0x0: {  	(tag) =	ssettag $0x1  }
0x1: {  	s0 =	srdreg.scid  }
0x2: {  	s2 =	sand.u32 $0x1, s0;
	s0 =	stileid.u32  }
0x3: {  	s4 =	sshll.u32 s0, $0x1;
	s5 =	ssub.s32 $0x0, s2  }
0x4: {  	p0 =	sne.s32 s4, s5  }
.Ltmp0:
0x5: {  	_ = 	snop;
	(pc) =	sbr.rel @p0 .LBB2_4-.Ltmp0, $3  }
0x6: {  	_ =	sdelay $0x1  }
0x7: {  	s3 =	rddreg [dreg:$0x0]  }
0x8: {  	s1 =	rddreg [dreg:$0x1];
	_ =	strace $0x80000047  }
0x9: {  	s4 =	ssub.s32 $0x2, s2  }
0xa: {  	s5 =	sshrl.u32 s4, $0x1  }
0xb: {  	s31 =	ssub.s32 s4, s5  }
0xc: {  	s5 =	smax.u32 s31, $0x1  }
0xd: {  	p0 =	sne.s32 s5, $0x1  }
.Ltmp1:
0xe: {  	_ = 	snop;
	(pc) =	sbr.rel @!p0 .LBB2_3-.Ltmp1, $4  }
0xf: {  	s2 =	sadd.s32 $0x1200, s3;
	s3 =	simm.s32 $0x1;
	s4 =	simm.s32 $0x0  }
0x10: {  	[tilespmem:s4], [sflag:$0x1] =	stream.linear.gather [hbm4b:s2+s4], $0x80, $0x38;
	[tilespmem:$0x80] =	vst v63  }
0x11: {  	_ =	swait.ge [sflag:s3], $0x80  }
0x12: {  	s5 =	sadd.s32 $0xFFFFFFFF, s5;
	[sflag:s3] =	ssyncset.done $0x0  }
.LBB2_2:
0x13: {  	p0 =	sne.s32 s5, $0x1;
	s5 =	sadd.s32 $0xFFFFFFFF, s5;
	[sflag:s3] =	ssyncadd.s32 $0xFFFFFF80  }
.Ltmp2:
0x14: {  	(pc) =	sbr.rel @p0 .LBB2_2-.Ltmp2, $4  }
0x15: {  	_ = 	snop  }
0x16: {  	[tilespmem:s4], [sflag:$0x1] =	stream.linear.gather [hbm4b:s2+s4], $0x80, $0x38;
	[tilespmem:$0x80] =	vst v63  }
0x17: {  	_ =	swait.ge [sflag:s3], $0x80  }
0x18: {  	[sflag:s3] =	ssyncset.done $0x0  }
.LBB2_3:
0x19: {  	[sflag:s3] =	ssyncadd.s32 $0xFFFFFF80  }
.LBB2_4:
0x1a: {  	_ =	sfence.sel $0x180000  }
0x1b: {  	[bflag:$0x0] =	sbarrier.arrive $0xFFFF  }
0x1c: {  	p0 =	sne.s32 s0, $0x0;
	_ =	strace $0x90000047  }
0x1d: {  	s0 =	sadd.s32 @!p0 $0x100000, s1;
	[bflag:$0x2] =	sbarrier.arrive $0xFFFF  }
0x1e: {  	[sflag:s0] =	ssyncadd.tile.s32 @!p0 $0x1;
	_ =	shalt  }
.Lfunc_end2:
_tile_overlayer_lowered:
.L_overlay_start_2:
0x1f: {  	(tag) =	ssettag $0x2  }
0x20: {  	s0 =	rddreg [dreg:$0x0];
	s2 =	stileid.u32  }
0x21: {  	s1 =	rddreg [dreg:$0x1];
	p0 =	sne.s32 s2, $0x0  }
0x22: {  	s3 =	rddreg [dreg:$0x2];
	[bflag:$0x3] =	sbarrier.arrive $0xFFFF;
	s2 =	simm.s32 @!p0 $0x1C01  }
0x23: {  	[timem:s3], [sflag:s2] =	dma.local @!p0 [hbm:s0], s1  }
0x24: {  	s0 =	simm.s32 @!p0 $0x1  }
0x25: {  	_ =	swait.ge @!p0 [sflag:s0], s1  }
0x26: {  	s1 =	ssub.s32 @!p0 $0x0, s1;
	[sflag:s0] =	ssyncset.done @!p0 $0x0  }
0x27: {  	[sflag:s0] =	ssyncadd.s32 @!p0 s1  }
0x28: {  	[bflag:$0x3] =	sbarrier.arrive $0xFFFF  }
0x29: {  	_ =	shalt  }

</sc_bundles>
